<compile_context>
chip_gen: v7x
topology: tpu7x:2x2x1
jax: 0.10.2.dev20260603
libtpu: 0.0.44.dev20260713+nightly
codegen_flags: <defaults>
</compile_context>

<pallas_src>
import jax
import jax.numpy as jnp
from jax.experimental import pallas as pl
from jax.experimental.pallas import tpu as pltpu

P = 512
E = 32
H = 64
N = P * P
N2 = N // 2
BLK = 2048


def _sigmoid(x):
    return 0.5 * jnp.tanh(0.5 * x) + 0.5


def _lstm_block(corr_ref, ht_ref, ct_ref, nei_ref,
                w_emb_ref, b_emb_ref, w_i_ref, w_f_ref, w_g_ref, w_o_ref,
                b_i_ref, b_f_ref, b_g_ref, b_o_ref, mask_ones_ref,
                ht_out_ref, ct_out_ref):
    corr = corr_ref[...]
    ht = ht_ref[...]
    ct = ct_ref[...]
    nei = nei_ref[...]

    dn = (((1,), (0,)), ((), ()))

    emb = jnp.maximum(
        jax.lax.dot_general(corr, w_emb_ref[...], dn,
                            preferred_element_type=jnp.float32)
        + b_emb_ref[...], 0.0)

    embh = emb.astype(jnp.bfloat16)
    hth = ht.astype(jnp.bfloat16)

    def gate(w_ref, b_ref):
        w = w_ref[...]
        return (jax.lax.dot_general(embh, w[:2 * E, :], dn,
                                    preferred_element_type=jnp.float32)
                + jax.lax.dot_general(hth, w[2 * E:, :], dn,
                                      preferred_element_type=jnp.float32)
                + b_ref[...])

    i = _sigmoid(gate(w_i_ref, b_i_ref))
    f = _sigmoid(gate(w_f_ref, b_f_ref))
    g = jnp.tanh(gate(w_g_ref, b_g_ref))
    o = _sigmoid(gate(w_o_ref, b_o_ref))

    c_new = f * ct + i * g
    h_new = o * jnp.tanh(c_new)

    mf = jax.lax.dot_general(nei, mask_ones_ref[...], dn,
                             preferred_element_type=jnp.float32)
    ht_out_ref[...] = ht + mf * (h_new - ht)
    ct_out_ref[...] = ct + mf * (c_new - ct)


def _blockdiag2(w):
    k, m = w.shape
    z = jnp.zeros((k, m), w.dtype)
    return jnp.concatenate(
        [jnp.concatenate([w, z], axis=1), jnp.concatenate([z, w], axis=1)],
        axis=0)


def kernel(corr_index, rela_ht, rela_ct, nei_index, W_emb, b_emb, W_ih, W_hh, b_ih, b_hh):
    corr = corr_index.reshape(N2, 4)
    ht = rela_ht.reshape(N2, 2 * H)
    ct = rela_ct.reshape(N2, 2 * H)
    neif = (nei_index.reshape(N2, 2) > 0).astype(jnp.bfloat16)

    w_emb2 = _blockdiag2(W_emb.T)
    b_emb2 = jnp.tile(b_emb, 2).reshape(1, 2 * E)
    w_ih = W_ih.T.astype(jnp.bfloat16)
    w_hh = W_hh.T.astype(jnp.bfloat16)
    bias = (b_ih + b_hh)
    w_gates = []
    b_gates = []
    for k in range(4):
        wi2 = _blockdiag2(w_ih[:, k * H:(k + 1) * H])
        wh2 = _blockdiag2(w_hh[:, k * H:(k + 1) * H])
        w_gates.append(jnp.concatenate([wi2, wh2], axis=0))
        b_gates.append(jnp.tile(bias[k * H:(k + 1) * H], 2).reshape(1, 2 * H))
    mask_ones = _blockdiag2(jnp.ones((1, H), dtype=jnp.bfloat16))

    grid = (N2 // BLK,)
    row_spec = lambda w: pl.BlockSpec((BLK, w), lambda i: (i, 0))
    full_spec = lambda a, b: pl.BlockSpec((a, b), lambda i: (0, 0))

    ht_out, ct_out = pl.pallas_call(
        _lstm_block,
        grid=grid,
        in_specs=[
            row_spec(4),
            row_spec(2 * H),
            row_spec(2 * H),
            row_spec(2),
            full_spec(4, 2 * E),
            full_spec(1, 2 * E),
            full_spec(2 * E + 2 * H, 2 * H),
            full_spec(2 * E + 2 * H, 2 * H),
            full_spec(2 * E + 2 * H, 2 * H),
            full_spec(2 * E + 2 * H, 2 * H),
            full_spec(1, 2 * H),
            full_spec(1, 2 * H),
            full_spec(1, 2 * H),
            full_spec(1, 2 * H),
            full_spec(2, 2 * H),
        ],
        out_specs=[row_spec(2 * H), row_spec(2 * H)],
        out_shape=[
            jax.ShapeDtypeStruct((N2, 2 * H), jnp.float32),
            jax.ShapeDtypeStruct((N2, 2 * H), jnp.float32),
        ],
        compiler_params=pltpu.CompilerParams(
            dimension_semantics=("arbitrary",),
        ),
    )(corr, ht, ct, neif, w_emb2, b_emb2, *w_gates, *b_gates, mask_ones)

    return ht_out.reshape(P, P, H), ct_out.reshape(P, P, H)

# --- scband reference (transcript-rebuilt; emitter-appended) ---
"""Pipeline reference for scband-relation-encoder-16716012716121 (READ-ONLY COPY).

The authoritative reference and input builder live on the scoring server;
editing this copy changes nothing except your own understanding.
"""

import jax, jax.numpy as jnp
import numpy as np

P = 512
E = 32
H = 64


def setup_inputs(seed: int = 0) -> dict:
    key = jax.random.key(seed)
    ks = jax.random.split(key, 10)
    corr_index = jax.random.normal(ks[0], (P, P, 2), dtype=jnp.float32)
    rela_ht = jax.random.normal(ks[1], (P, P, H), dtype=jnp.float32)
    rela_ct = jax.random.normal(ks[2], (P, P, H), dtype=jnp.float32)
    nei_index = jax.random.randint(ks[3], (P, P), 0, 2)
    # relative_embedding: nn.Linear(2, E), weight ~ N(0, 0.3), bias = 0
    W_emb = 0.3 * jax.random.normal(ks[4], (E, 2), dtype=jnp.float32)
    b_emb = jnp.zeros((E,), dtype=jnp.float32)
    # LSTMCell(E, H) params, PyTorch layout: [4H, in] / [4H, H], gate order i,f,g,o
    s = 1.0 / np.sqrt(H)
    W_ih = jax.random.uniform(ks[5], (4 * H, E), dtype=jnp.float32, minval=-s, maxval=s)
    W_hh = jax.random.uniform(ks[6], (4 * H, H), dtype=jnp.float32, minval=-s, maxval=s)
    b_ih = jax.random.uniform(ks[7], (4 * H,), dtype=jnp.float32, minval=-s, maxval=s)
    b_hh = jax.random.uniform(ks[8], (4 * H,), dtype=jnp.float32, minval=-s, maxval=s)
    return {
        "corr_index": corr_index,
        "rela_ht": rela_ht,
        "rela_ct": rela_ct,
        "nei_index": nei_index,
        "W_emb": W_emb,
        "b_emb": b_emb,
        "W_ih": W_ih,
        "W_hh": W_hh,
        "b_ih": b_ih,
        "b_hh": b_hh,
    }


def reference(corr_index, rela_ht, rela_ct, nei_index, W_emb, b_emb, W_ih, W_hh, b_ih, b_hh):
    ped_num = corr_index.shape[0]
    n = ped_num * ped_num
    mask = nei_index.reshape(-1) > 0  # [P*P]
    corr_t = corr_index.reshape(n, -1)
    ht = rela_ht.reshape(n, -1)
    ct = rela_ct.reshape(n, -1)
    # rela_embedding = relu(Linear(corr)); dropout with p=0 is identity
    emb = jax.nn.relu(corr_t @ W_emb.T + b_emb)
    # LSTMCell: gates = W_ih x + b_ih + W_hh h + b_hh; order i, f, g, o
    gates = emb @ W_ih.T + b_ih + ht @ W_hh.T + b_hh
    i, f, g, o = jnp.split(gates, 4, axis=1)
    i = jax.nn.sigmoid(i)
    f = jax.nn.sigmoid(f)
    g = jnp.tanh(g)
    o = jax.nn.sigmoid(o)
    c_new = f * ct + i * g
    h_new = o * jnp.tanh(c_new)
    # masked scatter-overwrite back into the pairwise state memory
    m = mask[:, None]
    ht_out = jnp.where(m, h_new, ht).reshape(ped_num, ped_num, -1)
    ct_out = jnp.where(m, c_new, ct).reshape(ped_num, ped_num, -1)
    return (ht_out, ct_out)

if __name__ == "__main__":
    import jax
    _d = setup_inputs()
    print(jax.jit(kernel)(*tuple(_d.values())))

</pallas_src>

<mosaic_0001>
module attributes {stable_mosaic.version = 14 : i64} {
  func.func @_lstm_block(%arg0: i32, %arg1: memref<2048x4xf32, #tpu.memory_space<vmem>>, %arg2: memref<2048x128xf32, #tpu.memory_space<vmem>>, %arg3: memref<2048x128xf32, #tpu.memory_space<vmem>>, %arg4: memref<2048x2xbf16, #tpu.memory_space<vmem>>, %arg5: memref<4x64xf32, #tpu.memory_space<vmem>>, %arg6: memref<1x64xf32, #tpu.memory_space<vmem>>, %arg7: memref<192x128xbf16, #tpu.memory_space<vmem>>, %arg8: memref<192x128xbf16, #tpu.memory_space<vmem>>, %arg9: memref<192x128xbf16, #tpu.memory_space<vmem>>, %arg10: memref<192x128xbf16, #tpu.memory_space<vmem>>, %arg11: memref<1x128xf32, #tpu.memory_space<vmem>>, %arg12: memref<1x128xf32, #tpu.memory_space<vmem>>, %arg13: memref<1x128xf32, #tpu.memory_space<vmem>>, %arg14: memref<1x128xf32, #tpu.memory_space<vmem>>, %arg15: memref<2x128xbf16, #tpu.memory_space<vmem>>, %arg16: memref<2048x128xf32, #tpu.memory_space<vmem>>, %arg17: memref<2048x128xf32, #tpu.memory_space<vmem>>) attributes {dimension_semantics = [#tpu.dimension_semantics<arbitrary>], iteration_bounds = array<i64: 64>, scalar_prefetch = 0 : i64, scratch_operands = 0 : i64, tpu.core_type = #tpu.core_type<tc>, window_params = [{transform_indices = @transform_0, window_bounds = array<i64: 2048, 4>}, {transform_indices = @transform_1, window_bounds = array<i64: 2048, 128>}, {transform_indices = @transform_2, window_bounds = array<i64: 2048, 128>}, {transform_indices = @transform_3, window_bounds = array<i64: 2048, 2>}, {pipeline_mode = #tpu.pipeline_mode<synchronous>, transform_indices = @transform_4, window_bounds = array<i64: 4, 64>}, {pipeline_mode = #tpu.pipeline_mode<synchronous>, transform_indices = @transform_5, window_bounds = array<i64: 1, 64>}, {pipeline_mode = #tpu.pipeline_mode<synchronous>, transform_indices = @transform_6, window_bounds = array<i64: 192, 128>}, {pipeline_mode = #tpu.pipeline_mode<synchronous>, transform_indices = @transform_7, window_bounds = array<i64: 192, 128>}, {pipeline_mode = #tpu.pipeline_mode<synchronous>, transform_indices = @transform_8, window_bounds = array<i64: 192, 128>}, {pipeline_mode = #tpu.pipeline_mode<synchronous>, transform_indices = @transform_9, window_bounds = array<i64: 192, 128>}, {pipeline_mode = #tpu.pipeline_mode<synchronous>, transform_indices = @transform_10, window_bounds = array<i64: 1, 128>}, {pipeline_mode = #tpu.pipeline_mode<synchronous>, transform_indices = @transform_11, window_bounds = array<i64: 1, 128>}, {pipeline_mode = #tpu.pipeline_mode<synchronous>, transform_indices = @transform_12, window_bounds = array<i64: 1, 128>}, {pipeline_mode = #tpu.pipeline_mode<synchronous>, transform_indices = @transform_13, window_bounds = array<i64: 1, 128>}, {pipeline_mode = #tpu.pipeline_mode<synchronous>, transform_indices = @transform_14, window_bounds = array<i64: 2, 128>}, {transform_indices = @transform_15, window_bounds = array<i64: 2048, 128>}, {transform_indices = @transform_16, window_bounds = array<i64: 2048, 128>}]} {
    %get3A = arith.constant 0 : index
    %get3A_0 = arith.constant 0 : index
    %get3A_1 = vector.load %arg1[%get3A, %get3A_0] : memref<2048x4xf32, #tpu.memory_space<vmem>>, vector<2048x4xf32>
    %get3A_2 = arith.constant 0 : index
    %get3A_3 = arith.constant 0 : index
    %get3A_4 = vector.load %arg2[%get3A_2, %get3A_3] : memref<2048x128xf32, #tpu.memory_space<vmem>>, vector<2048x128xf32>
    %get3A_5 = arith.constant 0 : index
    %get3A_6 = arith.constant 0 : index
    %get3A_7 = vector.load %arg3[%get3A_5, %get3A_6] : memref<2048x128xf32, #tpu.memory_space<vmem>>, vector<2048x128xf32>
    %get3A_8 = arith.constant 0 : index
    %get3A_9 = arith.constant 0 : index
    %get3A_10 = vector.load %arg4[%get3A_8, %get3A_9] : memref<2048x2xbf16, #tpu.memory_space<vmem>>, vector<2048x2xbf16>
    %get3A_11 = arith.constant 0 : index
    %get3A_12 = arith.constant 0 : index
    %get3A_13 = vector.load %arg5[%get3A_11, %get3A_12] : memref<4x64xf32, #tpu.memory_space<vmem>>, vector<4x64xf32>
    %dot_general3A = arith.constant dense<0.000000e+00> : vector<2048x64xf32>
    %dot_general3A_14 = tpu.matmul %get3A_1, %get3A_13, %dot_general3A {dimension_numbers = #tpu.dot_dimension_numbers<[1], [0], [0], [1], [0, 0, 1, 1], [], []>, transpose_lhs_hint = false} : vector<2048x4xf32>, vector<4x64xf32>, vector<2048x64xf32> -> vector<2048x64xf32>
    %get3A_15 = arith.constant 0 : index
    %get3A_16 = arith.constant 0 : index
    %get3A_17 = vector.load %arg6[%get3A_15, %get3A_16] : memref<1x64xf32, #tpu.memory_space<vmem>>, vector<1x64xf32>
    %add3A = vector.broadcast %get3A_17 : vector<1x64xf32> to vector<2048x64xf32>
    %add3A_18 = arith.addf %dot_general3A_14, %add3A : vector<2048x64xf32>
    %max3A = arith.constant 0.000000e+00 : f32
    %max3A_19 = vector.broadcast %max3A : f32 to vector<2048x64xf32>
    %max3A_20 = arith.maximumf %add3A_18, %max3A_19 : vector<2048x64xf32>
    %convert_element_type3A = arith.truncf %max3A_20 : vector<2048x64xf32> to vector<2048x64xbf16>
    %convert_element_type3A_21 = arith.truncf %get3A_4 : vector<2048x128xf32> to vector<2048x128xbf16>
    %get3A_22 = arith.constant 0 : index
    %get3A_23 = arith.constant 0 : index
    %get3A_24 = vector.load %arg7[%get3A_22, %get3A_23] : memref<192x128xbf16, #tpu.memory_space<vmem>>, vector<192x128xbf16>
    %slice3A = vector.extract_strided_slice %get3A_24 {offsets = [0, 0], sizes = [64, 128], strides = [1, 1]} : vector<192x128xbf16> to vector<64x128xbf16>
    %dot_general3A_25 = arith.constant dense<0.000000e+00> : vector<2048x128xf32>
    %dot_general3A_26 = tpu.matmul %convert_element_type3A, %slice3A, %dot_general3A_25 {dimension_numbers = #tpu.dot_dimension_numbers<[1], [0], [0], [1], [0, 0, 1, 1], [], []>, transpose_lhs_hint = false} : vector<2048x64xbf16>, vector<64x128xbf16>, vector<2048x128xf32> -> vector<2048x128xf32>
    %slice3A_27 = vector.extract_strided_slice %get3A_24 {offsets = [64, 0], sizes = [128, 128], strides = [1, 1]} : vector<192x128xbf16> to vector<128x128xbf16>
    %dot_general3A_28 = arith.constant dense<0.000000e+00> : vector<2048x128xf32>
    %dot_general3A_29 = tpu.matmul %convert_element_type3A_21, %slice3A_27, %dot_general3A_28 {dimension_numbers = #tpu.dot_dimension_numbers<[1], [0], [0], [1], [0, 0, 1, 1], [], []>, transpose_lhs_hint = false} : vector<2048x128xbf16>, vector<128x128xbf16>, vector<2048x128xf32> -> vector<2048x128xf32>
    %add3A_30 = arith.addf %dot_general3A_26, %dot_general3A_29 : vector<2048x128xf32>
    %get3A_31 = arith.constant 0 : index
    %get3A_32 = arith.constant 0 : index
    %get3A_33 = vector.load %arg11[%get3A_31, %get3A_32] : memref<1x128xf32, #tpu.memory_space<vmem>>, vector<1x128xf32>
    %add3A_34 = vector.broadcast %get3A_33 : vector<1x128xf32> to vector<2048x128xf32>
    %add3A_35 = arith.addf %add3A_30, %add3A_34 : vector<2048x128xf32>
    %mul3A = arith.constant 5.000000e-01 : f32
    %mul3A_36 = vector.broadcast %mul3A : f32 to vector<2048x128xf32>
    %mul3A_37 = arith.mulf %mul3A_36, %add3A_35 : vector<2048x128xf32>
    %tanh3A = math.tanh %mul3A_37 : vector<2048x128xf32>
    %mul3A_38 = arith.constant 5.000000e-01 : f32
    %mul3A_39 = vector.broadcast %mul3A_38 : f32 to vector<2048x128xf32>
    %mul3A_40 = arith.mulf %mul3A_39, %tanh3A : vector<2048x128xf32>
    %add3A_41 = arith.constant 5.000000e-01 : f32
    %add3A_42 = vector.broadcast %add3A_41 : f32 to vector<2048x128xf32>
    %add3A_43 = arith.addf %mul3A_40, %add3A_42 : vector<2048x128xf32>
    %get3A_44 = arith.constant 0 : index
    %get3A_45 = arith.constant 0 : index
    %get3A_46 = vector.load %arg8[%get3A_44, %get3A_45] : memref<192x128xbf16, #tpu.memory_space<vmem>>, vector<192x128xbf16>
    %slice3A_47 = vector.extract_strided_slice %get3A_46 {offsets = [0, 0], sizes = [64, 128], strides = [1, 1]} : vector<192x128xbf16> to vector<64x128xbf16>
    %dot_general3A_48 = arith.constant dense<0.000000e+00> : vector<2048x128xf32>
    %dot_general3A_49 = tpu.matmul %convert_element_type3A, %slice3A_47, %dot_general3A_48 {dimension_numbers = #tpu.dot_dimension_numbers<[1], [0], [0], [1], [0, 0, 1, 1], [], []>, transpose_lhs_hint = false} : vector<2048x64xbf16>, vector<64x128xbf16>, vector<2048x128xf32> -> vector<2048x128xf32>
    %slice3A_50 = vector.extract_strided_slice %get3A_46 {offsets = [64, 0], sizes = [128, 128], strides = [1, 1]} : vector<192x128xbf16> to vector<128x128xbf16>
    %dot_general3A_51 = arith.constant dense<0.000000e+00> : vector<2048x128xf32>
    %dot_general3A_52 = tpu.matmul %convert_element_type3A_21, %slice3A_50, %dot_general3A_51 {dimension_numbers = #tpu.dot_dimension_numbers<[1], [0], [0], [1], [0, 0, 1, 1], [], []>, transpose_lhs_hint = false} : vector<2048x128xbf16>, vector<128x128xbf16>, vector<2048x128xf32> -> vector<2048x128xf32>
    %add3A_53 = arith.addf %dot_general3A_49, %dot_general3A_52 : vector<2048x128xf32>
    %get3A_54 = arith.constant 0 : index
    %get3A_55 = arith.constant 0 : index
    %get3A_56 = vector.load %arg12[%get3A_54, %get3A_55] : memref<1x128xf32, #tpu.memory_space<vmem>>, vector<1x128xf32>
    %add3A_57 = vector.broadcast %get3A_56 : vector<1x128xf32> to vector<2048x128xf32>
    %add3A_58 = arith.addf %add3A_53, %add3A_57 : vector<2048x128xf32>
    %mul3A_59 = arith.constant 5.000000e-01 : f32
    %mul3A_60 = vector.broadcast %mul3A_59 : f32 to vector<2048x128xf32>
    %mul3A_61 = arith.mulf %mul3A_60, %add3A_58 : vector<2048x128xf32>
    %tanh3A_62 = math.tanh %mul3A_61 : vector<2048x128xf32>
    %mul3A_63 = arith.constant 5.000000e-01 : f32
    %mul3A_64 = vector.broadcast %mul3A_63 : f32 to vector<2048x128xf32>
    %mul3A_65 = arith.mulf %mul3A_64, %tanh3A_62 : vector<2048x128xf32>
    %add3A_66 = arith.constant 5.000000e-01 : f32
    %add3A_67 = vector.broadcast %add3A_66 : f32 to vector<2048x128xf32>
    %add3A_68 = arith.addf %mul3A_65, %add3A_67 : vector<2048x128xf32>
    %get3A_69 = arith.constant 0 : index
    %get3A_70 = arith.constant 0 : index
    %get3A_71 = vector.load %arg9[%get3A_69, %get3A_70] : memref<192x128xbf16, #tpu.memory_space<vmem>>, vector<192x128xbf16>
    %slice3A_72 = vector.extract_strided_slice %get3A_71 {offsets = [0, 0], sizes = [64, 128], strides = [1, 1]} : vector<192x128xbf16> to vector<64x128xbf16>
    %dot_general3A_73 = arith.constant dense<0.000000e+00> : vector<2048x128xf32>
    %dot_general3A_74 = tpu.matmul %convert_element_type3A, %slice3A_72, %dot_general3A_73 {dimension_numbers = #tpu.dot_dimension_numbers<[1], [0], [0], [1], [0, 0, 1, 1], [], []>, transpose_lhs_hint = false} : vector<2048x64xbf16>, vector<64x128xbf16>, vector<2048x128xf32> -> vector<2048x128xf32>
    %slice3A_75 = vector.extract_strided_slice %get3A_71 {offsets = [64, 0], sizes = [128, 128], strides = [1, 1]} : vector<192x128xbf16> to vector<128x128xbf16>
    %dot_general3A_76 = arith.constant dense<0.000000e+00> : vector<2048x128xf32>
    %dot_general3A_77 = tpu.matmul %convert_element_type3A_21, %slice3A_75, %dot_general3A_76 {dimension_numbers = #tpu.dot_dimension_numbers<[1], [0], [0], [1], [0, 0, 1, 1], [], []>, transpose_lhs_hint = false} : vector<2048x128xbf16>, vector<128x128xbf16>, vector<2048x128xf32> -> vector<2048x128xf32>
    %add3A_78 = arith.addf %dot_general3A_74, %dot_general3A_77 : vector<2048x128xf32>
    %get3A_79 = arith.constant 0 : index
    %get3A_80 = arith.constant 0 : index
    %get3A_81 = vector.load %arg13[%get3A_79, %get3A_80] : memref<1x128xf32, #tpu.memory_space<vmem>>, vector<1x128xf32>
    %add3A_82 = vector.broadcast %get3A_81 : vector<1x128xf32> to vector<2048x128xf32>
    %add3A_83 = arith.addf %add3A_78, %add3A_82 : vector<2048x128xf32>
    %tanh3A_84 = math.tanh %add3A_83 : vector<2048x128xf32>
    %get3A_85 = arith.constant 0 : index
    %get3A_86 = arith.constant 0 : index
    %get3A_87 = vector.load %arg10[%get3A_85, %get3A_86] : memref<192x128xbf16, #tpu.memory_space<vmem>>, vector<192x128xbf16>
    %slice3A_88 = vector.extract_strided_slice %get3A_87 {offsets = [0, 0], sizes = [64, 128], strides = [1, 1]} : vector<192x128xbf16> to vector<64x128xbf16>
    %dot_general3A_89 = arith.constant dense<0.000000e+00> : vector<2048x128xf32>
    %dot_general3A_90 = tpu.matmul %convert_element_type3A, %slice3A_88, %dot_general3A_89 {dimension_numbers = #tpu.dot_dimension_numbers<[1], [0], [0], [1], [0, 0, 1, 1], [], []>, transpose_lhs_hint = false} : vector<2048x64xbf16>, vector<64x128xbf16>, vector<2048x128xf32> -> vector<2048x128xf32>
    %slice3A_91 = vector.extract_strided_slice %get3A_87 {offsets = [64, 0], sizes = [128, 128], strides = [1, 1]} : vector<192x128xbf16> to vector<128x128xbf16>
    %dot_general3A_92 = arith.constant dense<0.000000e+00> : vector<2048x128xf32>
    %dot_general3A_93 = tpu.matmul %convert_element_type3A_21, %slice3A_91, %dot_general3A_92 {dimension_numbers = #tpu.dot_dimension_numbers<[1], [0], [0], [1], [0, 0, 1, 1], [], []>, transpose_lhs_hint = false} : vector<2048x128xbf16>, vector<128x128xbf16>, vector<2048x128xf32> -> vector<2048x128xf32>
    %add3A_94 = arith.addf %dot_general3A_90, %dot_general3A_93 : vector<2048x128xf32>
    %get3A_95 = arith.constant 0 : index
    %get3A_96 = arith.constant 0 : index
    %get3A_97 = vector.load %arg14[%get3A_95, %get3A_96] : memref<1x128xf32, #tpu.memory_space<vmem>>, vector<1x128xf32>
    %add3A_98 = vector.broadcast %get3A_97 : vector<1x128xf32> to vector<2048x128xf32>
    %add3A_99 = arith.addf %add3A_94, %add3A_98 : vector<2048x128xf32>
    %mul3A_100 = arith.constant 5.000000e-01 : f32
    %mul3A_101 = vector.broadcast %mul3A_100 : f32 to vector<2048x128xf32>
    %mul3A_102 = arith.mulf %mul3A_101, %add3A_99 : vector<2048x128xf32>
    %tanh3A_103 = math.tanh %mul3A_102 : vector<2048x128xf32>
    %mul3A_104 = arith.constant 5.000000e-01 : f32
    %mul3A_105 = vector.broadcast %mul3A_104 : f32 to vector<2048x128xf32>
    %mul3A_106 = arith.mulf %mul3A_105, %tanh3A_103 : vector<2048x128xf32>
    %add3A_107 = arith.constant 5.000000e-01 : f32
    %add3A_108 = vector.broadcast %add3A_107 : f32 to vector<2048x128xf32>
    %add3A_109 = arith.addf %mul3A_106, %add3A_108 : vector<2048x128xf32>
    %mul3A_110 = arith.mulf %add3A_68, %get3A_7 : vector<2048x128xf32>
    %mul3A_111 = arith.mulf %add3A_43, %tanh3A_84 : vector<2048x128xf32>
    %add3A_112 = arith.addf %mul3A_110, %mul3A_111 : vector<2048x128xf32>
    %tanh3A_113 = math.tanh %add3A_112 : vector<2048x128xf32>
    %mul3A_114 = arith.mulf %add3A_109, %tanh3A_113 : vector<2048x128xf32>
    %get3A_115 = arith.constant 0 : index
    %get3A_116 = arith.constant 0 : index
    %get3A_117 = vector.load %arg15[%get3A_115, %get3A_116] : memref<2x128xbf16, #tpu.memory_space<vmem>>, vector<2x128xbf16>
    %dot_general3A_118 = arith.constant dense<0.000000e+00> : vector<2048x128xf32>
    %dot_general3A_119 = tpu.matmul %get3A_10, %get3A_117, %dot_general3A_118 {dimension_numbers = #tpu.dot_dimension_numbers<[1], [0], [0], [1], [0, 0, 1, 1], [], []>, transpose_lhs_hint = false} : vector<2048x2xbf16>, vector<2x128xbf16>, vector<2048x128xf32> -> vector<2048x128xf32>
    %sub3A = arith.subf %mul3A_114, %get3A_4 : vector<2048x128xf32>
    %mul3A_120 = arith.mulf %dot_general3A_119, %sub3A : vector<2048x128xf32>
    %add3A_121 = arith.addf %get3A_4, %mul3A_120 : vector<2048x128xf32>
    %swap3A = arith.constant 0 : index
    %swap3A_122 = arith.constant 0 : index
    %swap3A_123 = vector.load %arg16[%swap3A, %swap3A_122] : memref<2048x128xf32, #tpu.memory_space<vmem>>, vector<2048x128xf32>
    tpu.vector_store %arg16[%swap3A, %swap3A_122], %add3A_121 {strides = array<i32>} : memref<2048x128xf32, #tpu.memory_space<vmem>>, vector<2048x128xf32>,
    %sub3A_124 = arith.subf %add3A_112, %get3A_7 : vector<2048x128xf32>
    %mul3A_125 = arith.mulf %dot_general3A_119, %sub3A_124 : vector<2048x128xf32>
    %add3A_126 = arith.addf %get3A_7, %mul3A_125 : vector<2048x128xf32>
    %swap3A_127 = arith.constant 0 : index
    %swap3A_128 = arith.constant 0 : index
    %swap3A_129 = vector.load %arg17[%swap3A_127, %swap3A_128] : memref<2048x128xf32, #tpu.memory_space<vmem>>, vector<2048x128xf32>
    tpu.vector_store %arg17[%swap3A_127, %swap3A_128], %add3A_126 {strides = array<i32>} : memref<2048x128xf32, #tpu.memory_space<vmem>>, vector<2048x128xf32>,
    return
  }
  func.func @transform_0(%arg0: i32) -> (i32, i32) {
    %c0_i32 = arith.constant 0 : i32
    %c0_i32_0 = arith.constant 0 : i32
    return %arg0, %c0_i32 : i32, i32
  }
  func.func @transform_1(%arg0: i32) -> (i32, i32) {
    %c0_i32 = arith.constant 0 : i32
    %c0_i32_0 = arith.constant 0 : i32
    return %arg0, %c0_i32 : i32, i32
  }
  func.func @transform_2(%arg0: i32) -> (i32, i32) {
    %c0_i32 = arith.constant 0 : i32
    %c0_i32_0 = arith.constant 0 : i32
    return %arg0, %c0_i32 : i32, i32
  }
  func.func @transform_3(%arg0: i32) -> (i32, i32) {
    %c0_i32 = arith.constant 0 : i32
    %c0_i32_0 = arith.constant 0 : i32
    return %arg0, %c0_i32 : i32, i32
  }
  func.func @transform_4(%arg0: i32) -> (i32, i32) {
    %c0_i32 = arith.constant 0 : i32
    %c0_i32_0 = arith.constant 0 : i32
    %c0_i32_1 = arith.constant 0 : i32
    return %c0_i32, %c0_i32_0 : i32, i32
  }
  func.func @transform_5(%arg0: i32) -> (i32, i32) {
    %c0_i32 = arith.constant 0 : i32
    %c0_i32_0 = arith.constant 0 : i32
    %c0_i32_1 = arith.constant 0 : i32
    return %c0_i32, %c0_i32_0 : i32, i32
  }
  func.func @transform_6(%arg0: i32) -> (i32, i32) {
    %c0_i32 = arith.constant 0 : i32
    %c0_i32_0 = arith.constant 0 : i32
    %c0_i32_1 = arith.constant 0 : i32
    return %c0_i32, %c0_i32_0 : i32, i32
  }
  func.func @transform_7(%arg0: i32) -> (i32, i32) {
    %c0_i32 = arith.constant 0 : i32
    %c0_i32_0 = arith.constant 0 : i32
    %c0_i32_1 = arith.constant 0 : i32
    return %c0_i32, %c0_i32_0 : i32, i32
  }
  func.func @transform_8(%arg0: i32) -> (i32, i32) {
    %c0_i32 = arith.constant 0 : i32
    %c0_i32_0 = arith.constant 0 : i32
    %c0_i32_1 = arith.constant 0 : i32
    return %c0_i32, %c0_i32_0 : i32, i32
  }
  func.func @transform_9(%arg0: i32) -> (i32, i32) {
    %c0_i32 = arith.constant 0 : i32
    %c0_i32_0 = arith.constant 0 : i32
    %c0_i32_1 = arith.constant 0 : i32
    return %c0_i32, %c0_i32_0 : i32, i32
  }
  func.func @transform_10(%arg0: i32) -> (i32, i32) {
    %c0_i32 = arith.constant 0 : i32
    %c0_i32_0 = arith.constant 0 : i32
    %c0_i32_1 = arith.constant 0 : i32
    return %c0_i32, %c0_i32_0 : i32, i32
  }
  func.func @transform_11(%arg0: i32) -> (i32, i32) {
    %c0_i32 = arith.constant 0 : i32
    %c0_i32_0 = arith.constant 0 : i32
    %c0_i32_1 = arith.constant 0 : i32
    return %c0_i32, %c0_i32_0 : i32, i32
  }
  func.func @transform_12(%arg0: i32) -> (i32, i32) {
    %c0_i32 = arith.constant 0 : i32
    %c0_i32_0 = arith.constant 0 : i32
    %c0_i32_1 = arith.constant 0 : i32
    return %c0_i32, %c0_i32_0 : i32, i32
  }
  func.func @transform_13(%arg0: i32) -> (i32, i32) {
    %c0_i32 = arith.constant 0 : i32
    %c0_i32_0 = arith.constant 0 : i32
    %c0_i32_1 = arith.constant 0 : i32
    return %c0_i32, %c0_i32_0 : i32, i32
  }
  func.func @transform_14(%arg0: i32) -> (i32, i32) {
    %c0_i32 = arith.constant 0 : i32
    %c0_i32_0 = arith.constant 0 : i32
    %c0_i32_1 = arith.constant 0 : i32
    return %c0_i32, %c0_i32_0 : i32, i32
  }
  func.func @transform_15(%arg0: i32) -> (i32, i32) {
    %c0_i32 = arith.constant 0 : i32
    %c0_i32_0 = arith.constant 0 : i32
    return %arg0, %c0_i32 : i32, i32
  }
  func.func @transform_16(%arg0: i32) -> (i32, i32) {
    %c0_i32 = arith.constant 0 : i32
    %c0_i32_0 = arith.constant 0 : i32
    return %arg0, %c0_i32 : i32, i32
  }
}

</mosaic_0001>

<sc_bundles>
// kernel: sparse-core-data-format-call.1.cloned.1.call-start
scs
called_computation.1_lowered:
.L_overlay_start_0:
0x0: {  	s2 =	sld [smem:$0x3FD9]  }
0x1: {  	s3 =	sld [smem:$0x3FFE];
	_ =	sdelay $0x1  }
0x2: {  	s1 =	srdreg.scid  }
0x3: {  	s0 =	sand.u32 $0x1, s1  }
0x4: {  	s15 =	sshll.u32 s0, $0xA;
	s2 =	sadd.s32 s3, s2  }
0x5: {  	s2 =	sadd.s32 s2, s15  }
0x6: {  	[smem:$0x3FBE] =	sst s2  }
0x7: {  	_ = 	snop  }
0x8: {  	s2 =	sld [smem:$0x3FD0];
	_ =	sdelay $0x2  }
0x9: {  	s16 =	simm.s32 $0xB;
	s4 =	simm.s32 $0x10  }
0xa: {  	[smem:s4], [sflag:s16] =	dma.local [hbm:s2], $0x1  }
0xb: {  	_ =	swait.eq [sflag:s16], $0x1  }
0xc: {  	[sflag:s16] =	ssyncset.done $0x0  }
0xd: {  	[sflag:s16] =	ssyncadd.s32 $0xFFFFFFFF  }
0xe: {  	s17 =	sld [smem:$0x10];
	(tm) =	ssettm $0x1  }
0xf: {  	s18 =	sld [smem:$0x3FFB];
	_ =	sdelay $0x3  }
0x10: {  	_ =	strace s18  }
0x11: {  	s3 =	sld [smem:$0x3FFC];
	_ =	sdelay $0x3  }
0x12: {  	_ =	strace s3  }
0x13: {  	s3 =	sld [smem:$0x3FFD];
	_ =	sdelay $0x3  }
0x14: {  	_ =	strace s3  }
0x15: {  	_ =	strace $0x8FFFFFFF  }
0x16: {  	s19 =	sld [smem:$0x3FDB];
	_ =	sdelay $0x1  }
0x17: {  	s20 =	simm.s32 $_scs_section_size  }
0x18: {  	s5 =	simm.s32 $_size__tile_overlayer_lowered;
	s6 =	simm.s32 $_tile_overlayer_lowered  }
0x19: {  	s23 =	simm.s32 $0x1BFF;
	s22 =	sshll.u32 s6, $0x1;
	s3 =	sadd.s32 s20, s19  }
0x1a: {  	s7 =	simm.s32 $0x0;
	s21 =	sshll.u32 s5, $0x1;
	s5 =	sadd.s32 s22, s3  }
0x1b: {  	[timem:s7], [sflag:s23] =	dma.local [hbm:s5], s21  }
0x1c: {  	_ =	swait.ge [sflag:s23], s21  }
0x1d: {  	s4 =	ssub.s32 $0x0, s21;
	[sflag:s23] =	ssyncset.done $0x0  }
0x1e: {  	[sflag:s23] =	ssyncadd.s32 s4;
	_ =	sdelay $0x1  }
0x1f: {  	s24 =	simm.s32 $0x1B8B  }
0x20: {  	_ =	swait.ge [sflag:s24], $0x1  }
0x21: {  	[sflag:s24] =	ssyncset.done $0x0  }
0x22: {  	s26 =	simm.s32 $0x1B8E;
	s25 =	sld [smem:$0x3FFE];
	[sflag:s24] =	ssyncadd.s32 $0xFFFFFFFF  }
0x23: {  	s27 =	simm.s32 $execute0_lowered;
	[smem:$0x3FD2] =	sst s26  }
0x24: {  	s5 =	sshll.u32 s27, $0x1;
	_ =	strace $0x80000046;
	[dreg:$0x1] =	wrdreg $0xFFFFFFFF  }
0x25: {  	s28 =	simm.s32 $_size_execute0_lowered;
	s3 =	sadd.s32 s3, s5;
	[dreg:$0x0] =	wrdreg $0x0  }
0x26: {  	s5 =	sshll.u32 s28, $0x1;
	[dreg:$0x2] =	wrdreg s3  }
0x27: {  	[dreg:$0x3] =	wrdreg s5  }
0x28: {  	[dreg:$0x4] =	wrdreg $0xC0  }
0x29: {  	_ =	task [dreg:s7], $0x5FFFF  }
0x2a: {  	[dreg:$0x1] =	wrdreg $0xFFFFFFFF  }
0x2b: {  	[dreg:$0x0] =	wrdreg $0x60  }
0x2c: {  	[dreg:$0x2] =	wrdreg s25  }
0x2d: {  	[dreg:$0x3] =	wrdreg s17  }
0x2e: {  	[dreg:$0x4] =	wrdreg $0xA  }
0x2f: {  	_ =	task.clear_ibuf [dreg:s7], $0x5FFFF;
	_ =	strace $0x90000046  }
0x30: {  	s29 =	simm.s32 $0xA;
	_ =	strace $0x80000048  }
0x31: {  	_ =	swait.ge [sflag:s29], $0x1  }
0x32: {  	[sflag:s29] =	ssyncadd.s32 $0xFFFFFFFF  }
0x33: {  	_ =	strace $0x90000048  }
0x34: {  	_ =	sfence  }
0x35: {  	s30 =	sld [smem:$0x0];
	_ =	sdelay $0x2  }
0x36: {  	s31 =	sshll.u32 s1, $0xD;
	s1 =	sshrl.u32 s1, $0x2  }
0x37: {  	s3 =	sand.u32 $0x4000, s31;
	s1 =	sadd.s32 s1, s30  }
0x38: {  	s0 =	sor.u32 s3, s0;
	s1 =	sshll.u32 s1, $0x11  }
0x39: {  	s0 =	sor.u32 s1, s0  }
0x3a: {  	s0 =	sadd.s32 $0x8F2B, s0  }
0x3b: {  	[sflag:s0] =	ssyncadd.remote.s32 $0x1  }
0x3c: {  	_ =	sfence.sel $0xFFFF  }
0x3d: {  	[dreg:$0x0] =	wrdreg $0xFFFFFFFF;
	(pc) =	sbr.abs _section_cstart, $3  }
0x3e: {  	[dreg:$0x1] =	wrdreg $0xFFFFFFFF  }
0x3f: {  	_ =	task.clear_ibuf [dreg:s7], $0x2FFFF;
	_ =	strace $0x9FFFFFFF  }
0x40: {  	(tm) =	ssettm $0x7FFFFFFF  }
0x41: {  	_ =	shalt  }
tec
execute0_lowered:
.L_overlay_start_1:
0x0: {  	(tag) =	ssettag $0x1  }
0x1: {  	s0 =	srdreg.scid  }
0x2: {  	s7 =	rddreg [dreg:$0x0];
	s1 =	sshll.u32 s0, $0x4  }
0x3: {  	s3 =	rddreg [dreg:$0x1];
	s0 =	stileid.u32;
	s1 =	sand.u32 $0x10, s1  }
0x4: {  	s6 =	simm.s32 $0x1;
	s31 =	simm.s32 $0x2;
	s1 =	sor.u32 s0, s1  }
0x5: {  	s13 =	simm.s32 $0x0;
	s9 =	simm.s32 $0x1000;
	s2 =	sshll.u32 s1, $0x1  }
0x6: {  	s14 =	simm.s32 $0x0;
	s10 =	simm.s32 $0x0;
	s4 =	ssub.s32 $0x200, s2  }
0x7: {  	s12 =	simm.s32 $0x0;
	s1 =	rddreg [dreg:$0x2];
	s5 =	sand.u32 $0x3E, s4  }
.Ltmp0:
0x8: {  	_ =	strace $0x80000047;
	p0 =	sne.s32 s5, $0x0;
	(pc) =	sbr.rel .LBB1_1-.Ltmp0, $4  }
0x9: {  	s11 =	smov.u32 s2;
	s8 =	sshrl.u32 s4, $0x6;
	s6 =	simm.s32 @!p0 $0x0  }
0xa: {  	s4 =	sadd.s32 $0x505600, s7;
	s5 =	simm.s32 $0x1;
	s6 =	sadd.s32 s6, s8  }
0xb: {  	s7 =	sadd.s32 $0x507600, s7;
	[sflag:s5] =	ssyncpa.u1 $0x0;
	s6 =	sshll.u32 s6, $0x2  }
0xc: {  	p0 =	por $0x0, $0x0;
	[sflag:s31] =	ssyncpa.u1 $0x0;
	s8 =	sor.u32 $0x1, s6  }
.LBB1_7:
0xd: {  	s15 =	sadd.s32 $0x80, s10  }
0xe: {  	s13 =	sadd.s32 $0x40, s11;
	s17 =	smov.u32 s11;
	p2 =	sgt.s32 s15, $0x1FF  }
0xf: {  	s17 =	smov.u32 @p2 s13  }
0x10: {  	s15 =	simm.s32 @p2 $0x0;
	p2 =	sgt.s32 s17, $0x1FF  }
0x11: {  	s17 =	smov.u32 @p2 s2;
	p2 =	sne.s32 s12, s8  }
.Ltmp1:
0x12: {  	p1 =	slt.u32 s12, $0x2;
	(pc) =	sbr.rel @!p2 .LBB1_8-.Ltmp1, $4  }
0x13: {  	s16 =	simm.s32 @!p1 $0x2  }
0x14: {  	s14 =	smov.u32 s11;
	p0 =	por !p0, !p0;
	_ =	swait.ge @!p1 [sflag:s16], $0x4000  }
0x15: {  	s13 =	smov.u32 s10;
	[sflag:s16] =	ssyncset.done @!p1 $0x0;
	s10 =	smov.u32 s15  }
0x16: {  	s12 =	sadd.s32 $0x1, s12;
	[sflag:s16] =	ssyncadd.s32 @!p1 $0xFFFFC000;
	s11 =	smov.u32 s17  }
.LBB1_1:
0x17: {  	p1 =	sge.u32 s12, s6  }
0x18: {  	s15 =	sxor.u32 @!p1 $0xFFFFFFFF, s12;
	s16 =	sshll.u32 @!p1 s11, $0xD  }
0x19: {  	s17 =	sshll.u32 @!p1 s10, $0x4;
	s19 =	simm.s32 @!p1 $0x40;
	s20 =	simm.s32 @!p1 $0x80  }
0x1a: {  	s15 =	sshll.u32 @!p1 s15, $0xE;
	s17 =	sand.u32 @!p1 $0x1FF0, s17;
	s18 =	sadd.s32 @!p1 s4, s16  }
0x1b: {  	s16 =	sadd.s32 @!p1 s16, s7;
	s15 =	sand.u32 @!p1 $0x4000, s15;
	s18 =	sadd.s32 @!p1 s17, s18  }
0x1c: {  	[tilespmem:s15], [sflag:$0x1] =	stream.strided.gather @!p1 [hbm4b:s18+s19], $0x2000, s20, s19, $0x38;
	[tilespmem:$0x10100] =	vst v63  }
0x1d: {  	s31 =	sadd.s32 $0xFFFFFFFF, s12;
	s16 =	sadd.s32 @!p1 s17, s16;
	s15 =	sor.u32 @!p1 $0x2000, s15  }
0x1e: {  	[tilespmem:s15], [sflag:$0x1] =	stream.strided.gather @!p1 [hbm4b:s16+s19], $0x2000, s20, s19, $0x38;
	[tilespmem:$0x10100] =	vst v63  }
0x1f: {  	p1 =	sge.u32 s31, s6  }
.Ltmp2:
0x20: {  	_ = 	snop;
	(pc) =	sbr.rel @p1 .LBB1_7-.Ltmp2, $1  }
0x21: {  	_ =	sdelay $0x3  }
0x22: {  	s15 =	simm.s32 $0x1;
	s17 =	sand.u32 $0x1, s12  }
0x23: {  	_ =	swait.ge [sflag:s5], $0x4000;
	s15 =	simm.s32 @!p0 $0x0;
	s17 =	smul.u32 $0x10200, s17  }
0x24: {  	p2 =	por $0x1, $0x1;
	[sflag:s5] =	ssyncset.done $0x0;
	s16 =	smul.u32 $0x10200, s15  }
0x25: {  	s18 =	sshll.u32 s15, $0x10;
	[sflag:s5] =	ssyncadd.s32 $0xFFFFC000;
	s30 =	sshrl.u32 s17, $0x2  }
0x26: {  	s31 =	sshrl.u32 s18, $0x2;
	s18 =	simm.s32 $0x0;
	s16 =	sshrl.u32 s16, $0x2  }
0x27: {  	s15 =	sor.u32 $0x8000, s30;
	s17 =	sadd.s32 $0x20, s31;
	s16 =	sor.u32 $0x8000, s16  }
.LBB1_3:
0x28: {  	s19 =	sshll.u32 s18, $0xD  }
0x29: {  	s19 =	sand.u32 $0x3FFFE000, s19  }
0x2a: {  	s21 =	sadd.s32 s19, s17  }
0x2b: {  	s31 =	smul.u32 $0x8100, s18;
	v3 =	vld [tilespmem:s21+$0x10]  }
0x2c: {  	v1 =	vld [tilespmem:s21+$0xFFFFFFF0]  }
0x2d: {  	s18 =	sshra.s32 s31, $0x2;
	v0 =	vld [tilespmem:s21+$0x0]  }
0x2e: {  	s18 =	sadd.s32 s18, s16;
	v2 =	vld [tilespmem:s21+$0xFFFFFFE0]  }
0x2f: {  	s19 =	sadd.s32 $0x0, s18  }
0x30: {  	p1 =	por p2, p2;
	s20 =	simm.s32 $0x4;
	s21 =	sadd.s32 $0x40, s21;
	[tilespmem:s19+$0x1830 ss:$0x81] =	vst.msk $0xffff, v3  }
.LBB1_4:
0x31: {  	v3 =	vld [tilespmem:s21+$0x10];
	p2 =	sne.s32 s20, $0x1FC;
	[tilespmem:s19+$0x810 ss:$0x81] =	vst.msk $0xffff, v1;
	s22 =	smov.u32 s20;
	s20 =	sadd.s32 $0x4, s20  }
.Ltmp3:
0x32: {  	v1 =	vld [tilespmem:s21+$0xFFFFFFF0];
	[tilespmem:s19+$0x1020 ss:$0x81] =	vst.msk $0xffff, v0;
	(pc) =	sbr.rel @p2 .LBB1_4-.Ltmp3, $4  }
0x33: {  	v0 =	vld [tilespmem:s21+$0x0];
	[tilespmem:s19+$0x0 ss:$0x81] =	vst.msk $0xffff, v2  }
0x34: {  	s19 =	sshra.s32 s22, $0x2;
	v2 =	vld [tilespmem:s21+$0xFFFFFFE0]  }
0x35: {  	s19 =	sadd.s32 s19, s18  }
0x36: {  	s21 =	sadd.s32 $0x40, s21;
	[tilespmem:s19+$0x1830 ss:$0x81] =	vst.msk $0xffff, v3  }
.Ltmp4:
0x37: {  	(pc) =	sbr.rel @p1 .LBB1_3-.Ltmp4, $4  }
0x38: {  	_ = 	snop  }
0x39: {  	[tilespmem:s19+$0x810 ss:$0x81] =	vst.msk $0xffff, v1  }
0x3a: {  	[tilespmem:s19+$0x1020 ss:$0x81] =	vst.msk $0xffff, v0  }
0x3b: {  	s18 =	simm.s32 $0x1;
	p2 =	por $0x0, $0x0;
	[tilespmem:s19+$0x0 ss:$0x81] =	vst.msk $0xffff, v2  }
.Ltmp5:
0x3c: {  	s16 =	sand.u32 $0xF80, s13;
	s14 =	sshll.u32 s14, $0xC;
	(pc) =	sbr.rel .LBB1_7-.Ltmp5, $4  }
0x3d: {  	s17 =	sshrl.u32 s13, $0x3;
	s31 =	sand.u32 $0x7, s13;
	s14 =	sadd.s32 s3, s14  }
0x3e: {  	s17 =	sand.u32 $0xF, s17;
	s13 =	sshll.u32 s31, $0x12;
	s14 =	sadd.s32 s16, s14  }
0x3f: {  	s13 =	sor.u32 $0x400, s13;
	s14 =	sadd.s32 s17, s14  }
0x40: {  	[hbm4b:s14+s13] =	stream.strided.scatter [tilespmem:s15], [sflag:$0x2], $0x4000, s9, s13, $0x20;
	[tilespmem:$0x10100] =	vst v63  }
.LBB1_8:
0x41: {  	_ =	sfence.sel $0x180000  }
0x42: {  	s2 =	simm.s32 $0x1;
	[bflag:$0x0] =	sbarrier.arrive $0xFFFF  }
0x43: {  	s31 =	simm.s32 $0x2;
	[sflag:s2] =	ssyncpa.u1 $0x1  }
0x44: {  	[sflag:s31] =	ssyncpa.u1 $0x1  }
0x45: {  	p0 =	sne.s32 s0, $0x0;
	_ =	strace $0x90000047  }
0x46: {  	s0 =	sadd.s32 @!p0 $0x100000, s1;
	[bflag:$0x2] =	sbarrier.arrive $0xFFFF  }
0x47: {  	[sflag:s0] =	ssyncadd.tile.s32 @!p0 $0x1;
	_ =	shalt  }
.Lfunc_end1:
_tile_overlayer_lowered:
.L_overlay_start_2:
0x48: {  	(tag) =	ssettag $0x2  }
0x49: {  	s0 =	rddreg [dreg:$0x0];
	s2 =	stileid.u32  }
0x4a: {  	s1 =	rddreg [dreg:$0x1];
	p0 =	sne.s32 s2, $0x0  }
0x4b: {  	s3 =	rddreg [dreg:$0x2];
	[bflag:$0x3] =	sbarrier.arrive $0xFFFF;
	s2 =	simm.s32 @!p0 $0x1C01  }
0x4c: {  	[timem:s3], [sflag:s2] =	dma.local @!p0 [hbm:s0], s1  }
0x4d: {  	s0 =	simm.s32 @!p0 $0x1  }
0x4e: {  	_ =	swait.ge @!p0 [sflag:s0], s1  }
0x4f: {  	s1 =	ssub.s32 @!p0 $0x0, s1;
	[sflag:s0] =	ssyncset.done @!p0 $0x0  }
0x50: {  	[sflag:s0] =	ssyncadd.s32 @!p0 s1  }
0x51: {  	[bflag:$0x3] =	sbarrier.arrive $0xFFFF  }
0x52: {  	_ =	shalt  }

// kernel: sparse-core-data-format-call.cloned.1.call-start
scs
called_computation_lowered:
.L_overlay_start_0:
0x0: {  	s2 =	sld [smem:$0x3FD9]  }
0x1: {  	s3 =	sld [smem:$0x3FFE];
	_ =	sdelay $0x1  }
0x2: {  	s1 =	srdreg.scid  }
0x3: {  	s0 =	sand.u32 $0x1, s1  }
0x4: {  	s16 =	sshll.u32 s0, $0xA;
	s2 =	sadd.s32 s3, s2  }
0x5: {  	s2 =	sadd.s32 s2, s16  }
0x6: {  	[smem:$0x3FBE] =	sst s2  }
0x7: {  	_ = 	snop  }
0x8: {  	s2 =	sld [smem:$0x3FD0];
	_ =	sdelay $0x2  }
0x9: {  	s17 =	simm.s32 $0xB;
	s4 =	simm.s32 $0x10  }
0xa: {  	[smem:s4], [sflag:s17] =	dma.local [hbm:s2], $0x1  }
0xb: {  	_ =	swait.eq [sflag:s17], $0x1  }
0xc: {  	[sflag:s17] =	ssyncset.done $0x0  }
0xd: {  	[sflag:s17] =	ssyncadd.s32 $0xFFFFFFFF  }
0xe: {  	s18 =	sld [smem:$0x11];
	(tm) =	ssettm $0x1  }
0xf: {  	s19 =	sld [smem:$0x3FFB];
	_ =	sdelay $0x3  }
0x10: {  	_ =	strace s19  }
0x11: {  	s2 =	sld [smem:$0x3FFC];
	_ =	sdelay $0x3  }
0x12: {  	_ =	strace s2  }
0x13: {  	s2 =	sld [smem:$0x3FFD];
	_ =	sdelay $0x3  }
0x14: {  	_ =	strace s2  }
0x15: {  	_ =	strace $0x8FFFFFFF  }
0x16: {  	s20 =	sld [smem:$0x3FDB];
	_ =	sdelay $0x1  }
0x17: {  	s21 =	simm.s32 $_scs_section_size  }
0x18: {  	s5 =	simm.s32 $_size__tile_overlayer_lowered;
	s6 =	simm.s32 $_tile_overlayer_lowered  }
0x19: {  	s7 =	simm.s32 $0x1BFF;
	s22 =	sshll.u32 s6, $0x1;
	s4 =	sadd.s32 s21, s20  }
0x1a: {  	s23 =	simm.s32 $0x0;
	s5 =	sshll.u32 s5, $0x1;
	s6 =	sadd.s32 s22, s4  }
0x1b: {  	[timem:s23], [sflag:s7] =	dma.local [hbm:s6], s5  }
0x1c: {  	_ =	swait.ge [sflag:s7], s5  }
0x1d: {  	s5 =	ssub.s32 $0x0, s5;
	[sflag:s7] =	ssyncset.done $0x0  }
0x1e: {  	[sflag:s7] =	ssyncadd.s32 s5;
	_ =	sdelay $0x1  }
0x1f: {  	s24 =	simm.s32 $0x1B8B  }
0x20: {  	_ =	swait.ge [sflag:s24], $0x1  }
0x21: {  	[sflag:s24] =	ssyncset.done $0x0  }
0x22: {  	[sflag:s24] =	ssyncadd.s32 $0xFFFFFFFF  }
0x23: {  	s5 =	sld [smem:$0x0]  }
0x24: {  	s6 =	sand.u32 $0xFFFFFFFE, s1  }
0x25: {  	p0 =	sne.s32 s1, s6  }
0x26: {  	s6 =	sshll.u32 @p0 s6, $0xE  }
0x27: {  	s6 =	sadd.s32 @p0 $0x11B8D, s6;
	s7 =	sshll.u32 @p0 s5, $0x11  }
0x28: {  	s6 =	sor.u32 @p0 s7, s6  }
0x29: {  	[sflag:s6] =	ssyncadd.remote.s32 @p0 $0x1;
	_ =	sdelay $0x1  }
0x2a: {  	s6 =	simm.s32 @p0 $0x1B8D  }
0x2b: {  	_ =	swait.eq @p0 [sflag:s6], $0x1  }
0x2c: {  	[sflag:s6] =	ssyncadd.s32 @p0 $0xFFFFFFFF  }
0x2d: {  	s7 =	sshll.u32 @!p0 s1, $0xE  }
0x2e: {  	s7 =	sor.u32 @!p0 $0x4000, s7;
	s6 =	simm.s32 @!p0 $0x1B8D  }
0x2f: {  	s5 =	sshll.u32 @!p0 s5, $0x11;
	s7 =	sadd.s32 @!p0 $0x11B8D, s7;
	_ =	swait.eq @!p0 [sflag:s6], $0x1  }
0x30: {  	s5 =	sor.u32 @!p0 s5, s7;
	[sflag:s6] =	ssyncadd.s32 @!p0 $0xFFFFFFFF  }
0x31: {  	s26 =	simm.s32 $0x1B8E;
	s25 =	sld [smem:$0x3FFE];
	[sflag:s5] =	ssyncadd.remote.s32 @!p0 $0x1  }
0x32: {  	s27 =	simm.s32 $execute0_lowered;
	[smem:$0x3FD2] =	sst s26  }
0x33: {  	s6 =	sshll.u32 s27, $0x1;
	_ =	strace $0x80000049;
	[dreg:$0x1] =	wrdreg $0xFFFFFFFF  }
0x34: {  	s28 =	simm.s32 $_size_execute0_lowered;
	s4 =	sadd.s32 s4, s6;
	[dreg:$0x0] =	wrdreg $0x0  }
0x35: {  	s6 =	sshll.u32 s28, $0x1;
	[dreg:$0x2] =	wrdreg s4  }
0x36: {  	[dreg:$0x3] =	wrdreg s6  }
0x37: {  	[dreg:$0x4] =	wrdreg $0xC0  }
0x38: {  	_ =	task [dreg:s23], $0x5FFFF  }
0x39: {  	[dreg:$0x1] =	wrdreg $0xFFFFFFFF  }
0x3a: {  	[dreg:$0x0] =	wrdreg $0x60  }
0x3b: {  	[dreg:$0x2] =	wrdreg s25  }
0x3c: {  	[dreg:$0x3] =	wrdreg s18  }
0x3d: {  	[dreg:$0x4] =	wrdreg $0x9  }
0x3e: {  	_ =	task.clear_ibuf [dreg:s23], $0x5FFFF;
	_ =	strace $0x90000049  }
0x3f: {  	s29 =	simm.s32 $0x9;
	_ =	strace $0x8000004B  }
0x40: {  	_ =	swait.ge [sflag:s29], $0x1  }
0x41: {  	[sflag:s29] =	ssyncadd.s32 $0xFFFFFFFF  }
0x42: {  	_ =	strace $0x9000004B  }
0x43: {  	_ =	sfence  }
0x44: {  	s30 =	sld [smem:$0x0];
	_ =	sdelay $0x2  }
0x45: {  	s31 =	sshll.u32 s1, $0xD;
	s1 =	sshrl.u32 s1, $0x2  }
0x46: {  	s4 =	sand.u32 $0x4000, s31;
	s1 =	sadd.s32 s1, s30  }
0x47: {  	s0 =	sor.u32 s4, s0;
	s1 =	sshll.u32 s1, $0x11  }
0x48: {  	s0 =	sor.u32 s1, s0  }
0x49: {  	s0 =	sadd.s32 $0x8F2B, s0  }
0x4a: {  	[sflag:s0] =	ssyncadd.remote.s32 $0x1  }
0x4b: {  	_ =	sfence.sel $0xFFFF  }
0x4c: {  	[dreg:$0x0] =	wrdreg $0xFFFFFFFF;
	(pc) =	sbr.abs _section_cstart, $3  }
0x4d: {  	[dreg:$0x1] =	wrdreg $0xFFFFFFFF  }
0x4e: {  	_ =	task.clear_ibuf [dreg:s23], $0x2FFFF;
	_ =	strace $0x9FFFFFFF  }
0x4f: {  	(tm) =	ssettm $0x7FFFFFFF  }
tec
execute0_lowered:
.L_overlay_start_1:
0x0: {  	(tag) =	ssettag $0x1  }
0x1: {  	s0 =	srdreg.scid  }
0x2: {  	s7 =	rddreg [dreg:$0x0];
	s1 =	sshll.u32 s0, $0x4  }
0x3: {  	s3 =	rddreg [dreg:$0x1];
	s0 =	stileid.u32;
	s1 =	sand.u32 $0x10, s1  }
0x4: {  	s6 =	simm.s32 $0x1;
	s31 =	simm.s32 $0x2;
	s1 =	sor.u32 s0, s1  }
0x5: {  	s13 =	simm.s32 $0x0;
	s9 =	simm.s32 $0x1000;
	s2 =	sshll.u32 s1, $0x1  }
0x6: {  	s14 =	simm.s32 $0x0;
	s10 =	simm.s32 $0x0;
	s4 =	ssub.s32 $0x200, s2  }
0x7: {  	s12 =	simm.s32 $0x0;
	s1 =	rddreg [dreg:$0x2];
	s5 =	sand.u32 $0x3E, s4  }
.Ltmp0:
0x8: {  	_ =	strace $0x8000004A;
	p0 =	sne.s32 s5, $0x0;
	(pc) =	sbr.rel .LBB1_1-.Ltmp0, $4  }
0x9: {  	s11 =	smov.u32 s2;
	s8 =	sshrl.u32 s4, $0x6;
	s6 =	simm.s32 @!p0 $0x0  }
0xa: {  	s4 =	sadd.s32 $0x905600, s7;
	s5 =	simm.s32 $0x1;
	s6 =	sadd.s32 s6, s8  }
0xb: {  	s7 =	sadd.s32 $0x907600, s7;
	[sflag:s5] =	ssyncpa.u1 $0x0;
	s6 =	sshll.u32 s6, $0x2  }
0xc: {  	p0 =	por $0x0, $0x0;
	[sflag:s31] =	ssyncpa.u1 $0x0;
	s8 =	sor.u32 $0x1, s6  }
.LBB1_7:
0xd: {  	s15 =	sadd.s32 $0x80, s10  }
0xe: {  	s13 =	sadd.s32 $0x40, s11;
	s17 =	smov.u32 s11;
	p2 =	sgt.s32 s15, $0x1FF  }
0xf: {  	s17 =	smov.u32 @p2 s13  }
0x10: {  	s15 =	simm.s32 @p2 $0x0;
	p2 =	sgt.s32 s17, $0x1FF  }
0x11: {  	s17 =	smov.u32 @p2 s2;
	p2 =	sne.s32 s12, s8  }
.Ltmp1:
0x12: {  	p1 =	slt.u32 s12, $0x2;
	(pc) =	sbr.rel @!p2 .LBB1_8-.Ltmp1, $4  }
0x13: {  	s16 =	simm.s32 @!p1 $0x2  }
0x14: {  	s14 =	smov.u32 s11;
	p0 =	por !p0, !p0;
	_ =	swait.ge @!p1 [sflag:s16], $0x4000  }
0x15: {  	s13 =	smov.u32 s10;
	[sflag:s16] =	ssyncset.done @!p1 $0x0;
	s10 =	smov.u32 s15  }
0x16: {  	s12 =	sadd.s32 $0x1, s12;
	[sflag:s16] =	ssyncadd.s32 @!p1 $0xFFFFC000;
	s11 =	smov.u32 s17  }
.LBB1_1:
0x17: {  	p1 =	sge.u32 s12, s6  }
0x18: {  	s15 =	sxor.u32 @!p1 $0xFFFFFFFF, s12;
	s16 =	sshll.u32 @!p1 s11, $0xD  }
0x19: {  	s17 =	sshll.u32 @!p1 s10, $0x4;
	s19 =	simm.s32 @!p1 $0x40;
	s20 =	simm.s32 @!p1 $0x80  }
0x1a: {  	s15 =	sshll.u32 @!p1 s15, $0xE;
	s17 =	sand.u32 @!p1 $0x1FF0, s17;
	s18 =	sadd.s32 @!p1 s4, s16  }
0x1b: {  	s16 =	sadd.s32 @!p1 s16, s7;
	s15 =	sand.u32 @!p1 $0x4000, s15;
	s18 =	sadd.s32 @!p1 s17, s18  }
0x1c: {  	[tilespmem:s15], [sflag:$0x1] =	stream.strided.gather @!p1 [hbm4b:s18+s19], $0x2000, s20, s19, $0x38;
	[tilespmem:$0x10100] =	vst v63  }
0x1d: {  	s31 =	sadd.s32 $0xFFFFFFFF, s12;
	s16 =	sadd.s32 @!p1 s17, s16;
	s15 =	sor.u32 @!p1 $0x2000, s15  }
0x1e: {  	[tilespmem:s15], [sflag:$0x1] =	stream.strided.gather @!p1 [hbm4b:s16+s19], $0x2000, s20, s19, $0x38;
	[tilespmem:$0x10100] =	vst v63  }
0x1f: {  	p1 =	sge.u32 s31, s6  }
.Ltmp2:
0x20: {  	_ = 	snop;
	(pc) =	sbr.rel @p1 .LBB1_7-.Ltmp2, $1  }
0x21: {  	_ =	sdelay $0x3  }
0x22: {  	s15 =	simm.s32 $0x1;
	s17 =	sand.u32 $0x1, s12  }
0x23: {  	_ =	swait.ge [sflag:s5], $0x4000;
	s15 =	simm.s32 @!p0 $0x0;
	s17 =	smul.u32 $0x10200, s17  }
0x24: {  	p2 =	por $0x1, $0x1;
	[sflag:s5] =	ssyncset.done $0x0;
	s16 =	smul.u32 $0x10200, s15  }
0x25: {  	s18 =	sshll.u32 s15, $0x10;
	[sflag:s5] =	ssyncadd.s32 $0xFFFFC000;
	s30 =	sshrl.u32 s17, $0x2  }
0x26: {  	s31 =	sshrl.u32 s18, $0x2;
	s18 =	simm.s32 $0x0;
	s16 =	sshrl.u32 s16, $0x2  }
0x27: {  	s15 =	sor.u32 $0x8000, s30;
	s17 =	sadd.s32 $0x20, s31;
	s16 =	sor.u32 $0x8000, s16  }
.LBB1_3:
0x28: {  	s19 =	sshll.u32 s18, $0xD  }
0x29: {  	s19 =	sand.u32 $0x3FFFE000, s19  }
0x2a: {  	s21 =	sadd.s32 s19, s17  }
0x2b: {  	s31 =	smul.u32 $0x8100, s18;
	v3 =	vld [tilespmem:s21+$0x10]  }
0x2c: {  	v1 =	vld [tilespmem:s21+$0xFFFFFFF0]  }
0x2d: {  	s18 =	sshra.s32 s31, $0x2;
	v0 =	vld [tilespmem:s21+$0x0]  }
0x2e: {  	s18 =	sadd.s32 s18, s16;
	v2 =	vld [tilespmem:s21+$0xFFFFFFE0]  }
0x2f: {  	s19 =	sadd.s32 $0x0, s18  }
0x30: {  	p1 =	por p2, p2;
	s20 =	simm.s32 $0x4;
	s21 =	sadd.s32 $0x40, s21;
	[tilespmem:s19+$0x1830 ss:$0x81] =	vst.msk $0xffff, v3  }
.LBB1_4:
0x31: {  	v3 =	vld [tilespmem:s21+$0x10];
	p2 =	sne.s32 s20, $0x1FC;
	[tilespmem:s19+$0x810 ss:$0x81] =	vst.msk $0xffff, v1;
	s22 =	smov.u32 s20;
	s20 =	sadd.s32 $0x4, s20  }
.Ltmp3:
0x32: {  	v1 =	vld [tilespmem:s21+$0xFFFFFFF0];
	[tilespmem:s19+$0x1020 ss:$0x81] =	vst.msk $0xffff, v0;
	(pc) =	sbr.rel @p2 .LBB1_4-.Ltmp3, $4  }
0x33: {  	v0 =	vld [tilespmem:s21+$0x0];
	[tilespmem:s19+$0x0 ss:$0x81] =	vst.msk $0xffff, v2  }
0x34: {  	s19 =	sshra.s32 s22, $0x2;
	v2 =	vld [tilespmem:s21+$0xFFFFFFE0]  }
0x35: {  	s19 =	sadd.s32 s19, s18  }
0x36: {  	s21 =	sadd.s32 $0x40, s21;
	[tilespmem:s19+$0x1830 ss:$0x81] =	vst.msk $0xffff, v3  }
.Ltmp4:
0x37: {  	(pc) =	sbr.rel @p1 .LBB1_3-.Ltmp4, $4  }
0x38: {  	_ = 	snop  }
0x39: {  	[tilespmem:s19+$0x810 ss:$0x81] =	vst.msk $0xffff, v1  }
0x3a: {  	[tilespmem:s19+$0x1020 ss:$0x81] =	vst.msk $0xffff, v0  }
0x3b: {  	s18 =	simm.s32 $0x1;
	p2 =	por $0x0, $0x0;
	[tilespmem:s19+$0x0 ss:$0x81] =	vst.msk $0xffff, v2  }
.Ltmp5:
0x3c: {  	s16 =	sand.u32 $0xF80, s13;
	s14 =	sshll.u32 s14, $0xC;
	(pc) =	sbr.rel .LBB1_7-.Ltmp5, $4  }
0x3d: {  	s17 =	sshrl.u32 s13, $0x3;
	s31 =	sand.u32 $0x7, s13;
	s14 =	sadd.s32 s3, s14  }
0x3e: {  	s17 =	sand.u32 $0xF, s17;
	s13 =	sshll.u32 s31, $0x12;
	s14 =	sadd.s32 s16, s14  }
0x3f: {  	s13 =	sor.u32 $0x400, s13;
	s14 =	sadd.s32 s17, s14  }
0x40: {  	[hbm4b:s14+s13] =	stream.strided.scatter [tilespmem:s15], [sflag:$0x2], $0x4000, s9, s13, $0x20;
	[tilespmem:$0x10100] =	vst v63  }
.LBB1_8:
0x41: {  	_ =	sfence.sel $0x180000  }
0x42: {  	s2 =	simm.s32 $0x1;
	[bflag:$0x0] =	sbarrier.arrive $0xFFFF  }
0x43: {  	s31 =	simm.s32 $0x2;
	[sflag:s2] =	ssyncpa.u1 $0x1  }
0x44: {  	[sflag:s31] =	ssyncpa.u1 $0x1  }
0x45: {  	p0 =	sne.s32 s0, $0x0;
	_ =	strace $0x9000004A  }
0x46: {  	s0 =	sadd.s32 @!p0 $0x100000, s1;
	[bflag:$0x2] =	sbarrier.arrive $0xFFFF  }
0x47: {  	[sflag:s0] =	ssyncadd.tile.s32 @!p0 $0x1;
	_ =	shalt  }
.Lfunc_end1:
_tile_overlayer_lowered:
.L_overlay_start_2:
0x48: {  	(tag) =	ssettag $0x2  }
0x49: {  	s0 =	rddreg [dreg:$0x0];
	s2 =	stileid.u32  }
0x4a: {  	s1 =	rddreg [dreg:$0x1];
	p0 =	sne.s32 s2, $0x0  }
0x4b: {  	s3 =	rddreg [dreg:$0x2];
	[bflag:$0x3] =	sbarrier.arrive $0xFFFF;
	s2 =	simm.s32 @!p0 $0x1C01  }
0x4c: {  	[timem:s3], [sflag:s2] =	dma.local @!p0 [hbm:s0], s1  }
0x4d: {  	s0 =	simm.s32 @!p0 $0x1  }
0x4e: {  	_ =	swait.ge @!p0 [sflag:s0], s1  }
0x4f: {  	s1 =	ssub.s32 @!p0 $0x0, s1;
	[sflag:s0] =	ssyncset.done @!p0 $0x0  }
0x50: {  	[sflag:s0] =	ssyncadd.s32 @!p0 s1  }
0x51: {  	[bflag:$0x3] =	sbarrier.arrive $0xFFFF  }
0x52: {  	_ =	shalt  }

</sc_bundles>
